<compile_context>
chip_gen: v7x
topology: tpu7x:2x2x1
jax: 0.10.2.dev20260603
libtpu: 0.0.44.dev20260713+nightly
codegen_flags: <defaults>
</compile_context>

<pallas_src>
import jax
import jax.numpy as jnp
from jax.experimental import pallas as pl

N = 5000
NP = 5120
R, C = 8, 640
CB = 128
NB = CB * R
KOUT = 304
NUM_PROPOSALS = 300
IOU_THRESH = 0.7


def _nms_body(planes_ref, brows_ref, conv_ref, out_ref):
    f32 = jnp.float32
    x1 = planes_ref[0]
    y1 = planes_ref[1]
    x2 = planes_ref[2]
    y2 = planes_ref[3]
    area = (x2 - x1) * (y2 - y1)
    r_i = jax.lax.broadcasted_iota(jnp.int32, (R, C), 0)
    c_i = jax.lax.broadcasted_iota(jnp.int32, (R, C), 1)
    idx = c_i * R + r_i

    out_ref[...] = jnp.zeros((KOUT, 4), jnp.float32) + planes_ref[0, 0, 0] + brows_ref[0, 0, 0] + conv_ref[0, 0]
    return


def kernel(rpn_boxes, rpn_scores):
    cx, cy = rpn_boxes[:, 0], rpn_boxes[:, 1]
    w, h = rpn_boxes[:, 2], rpn_boxes[:, 3]
    x1 = jnp.clip(cx - w * 0.5, 0.0, 1023.0)
    y1 = jnp.clip(cy - h * 0.5, 0.0, 1023.0)
    x2 = jnp.clip(cx + w * 0.5, 0.0, 1023.0)
    y2 = jnp.clip(cy + h * 0.5, 0.0, 1023.0)
    valid = ((x2 - x1) > 0.0) & ((y2 - y1) > 0.0)
    scores = jax.nn.sigmoid(rpn_scores)
    scores = jnp.where(valid, scores, -1e9)
    order = jnp.argsort(-scores)
    x1s, y1s, x2s, y2s = x1[order], y1[order], x2[order], y2[order]

    pad = NP - N
    def p(a):
        return jnp.concatenate([a, jnp.zeros((pad,), a.dtype)])

    def colmajor(a):
        return a.reshape(C, R).T

    planes = jnp.stack([colmajor(p(x1s)), colmajor(p(y1s)),
                        colmajor(p(x2s)), colmajor(p(y2s))])
    brows = jnp.stack([p(x1s), p(y1s), p(x2s), p(y2s)],
                      axis=1).reshape(C, R, 4).transpose(1, 0, 2)
    conv = jnp.array(
        [[0.5, 0.0, -1.0, 0.0],
         [0.0, 0.5, 0.0, -1.0],
         [0.5, 0.0, 1.0, 0.0],
         [0.0, 0.5, 0.0, 1.0]], jnp.float32)

    out = pl.pallas_call(
        _nms_body,
        out_shape=jax.ShapeDtypeStruct((KOUT, 4), jnp.float32),
    )(planes, brows, conv)
    return out[:NUM_PROPOSALS]

# --- scband reference (transcript-rebuilt; emitter-appended) ---
"""Pipeline reference for scband-localization-layer-85246510891783 (READ-ONLY COPY).

The authoritative reference and input builder live on the scoring server;
editing this copy changes nothing except your own understanding.
"""

import jax, jax.numpy as jnp
import numpy as np

N = 5000
IOU_THRESH = 0.7
NUM_PROPOSALS = 300
IMG_H, IMG_W = 1024, 1024


def cxcywh_to_xyxy(b):
    cx, cy, w, h = b[:, 0], b[:, 1], b[:, 2], b[:, 3]
    return jnp.stack([cx - w * 0.5, cy - h * 0.5, cx + w * 0.5, cy + h * 0.5], axis=1)


def xyxy_to_cxcywh(b):
    x1, y1, x2, y2 = b[:, 0], b[:, 1], b[:, 2], b[:, 3]
    return jnp.stack([(x1 + x2) * 0.5, (y1 + y2) * 0.5, x2 - x1, y2 - y1], axis=1)


def pairwise_iou(a, b):
    area_a = (a[:, 2] - a[:, 0]) * (a[:, 3] - a[:, 1])
    area_b = (b[:, 2] - b[:, 0]) * (b[:, 3] - b[:, 1])
    lt = jnp.maximum(a[:, None, :2], b[None, :, :2])
    rb = jnp.minimum(a[:, None, 2:], b[None, :, 2:])
    wh = jnp.clip(rb - lt, 0.0)
    inter = wh[..., 0] * wh[..., 1]
    union = area_a[:, None] + area_b[None, :] - inter
    return inter / jnp.maximum(union, 1e-9)


def setup_inputs(seed: int = 0) -> dict:
    key = jax.random.key(seed)
    k1, k2 = jax.random.split(key)
    u = jax.random.uniform(k1, (N, 4), dtype=jnp.float32)
    cx = u[:, 0] * IMG_W
    cy = u[:, 1] * IMG_H
    w = u[:, 2] * 256.0 + 1.0
    h = u[:, 3] * 256.0 + 1.0
    rpn_boxes = jnp.stack([cx, cy, w, h], axis=1)
    rpn_scores = jax.random.normal(k2, (N,), dtype=jnp.float32)
    return {"rpn_boxes": rpn_boxes, "rpn_scores": rpn_scores}


def reference(rpn_boxes, rpn_scores):
    # --- clip boxes to image bounds (test_clip_boxes=True), cxcywh convention ---
    xyxy = cxcywh_to_xyxy(rpn_boxes)
    x1 = jnp.clip(xyxy[:, 0], 0.0, IMG_W - 1.0)
    y1 = jnp.clip(xyxy[:, 1], 0.0, IMG_H - 1.0)
    x2 = jnp.clip(xyxy[:, 2], 0.0, IMG_W - 1.0)
    y2 = jnp.clip(xyxy[:, 3], 0.0, IMG_H - 1.0)
    clipped = jnp.stack([x1, y1, x2, y2], axis=1)
    valid = ((x2 - x1) > 0.0) & ((y2 - y1) > 0.0)
    boxes_c = xyxy_to_cxcywh(clipped)
    # --- scores: sigmoid, invalid boxes masked out ---
    scores = jax.nn.sigmoid(rpn_scores)
    scores = jnp.where(valid, scores, -1e9)
    # --- greedy NMS at iou_threshold=0.7 ---
    order = jnp.argsort(-scores)
    b_sorted = clipped[order]
    boxes_c_sorted = boxes_c[order]
    scores_sorted = scores[order]
    iou = pairwise_iou(b_sorted, b_sorted)
    idxs = jnp.arange(N)

    def body(i, keep):
        suppress = (iou[i] > IOU_THRESH) & (idxs > i) & keep[i]
        return keep & (~suppress)

    keep = jax.lax.fori_loop(0, N, body, jnp.ones((N,), dtype=bool))
    keep = keep & (scores_sorted > -1e8)
    # --- take first num_proposals=300 kept boxes (fixed output shape, zero padded) ---
    pos = jnp.where(keep, idxs, N)
    pos = jnp.sort(pos)[:NUM_PROPOSALS]
    valid_sel = pos < N
    sel = jnp.clip(pos, 0, N - 1)
    rpn_boxes_nms = jnp.where(valid_sel[:, None], boxes_c_sorted[sel], 0.0)
    return rpn_boxes_nms

if __name__ == "__main__":
    import jax
    _d = setup_inputs()
    print(jax.jit(kernel)(*tuple(_d.values())))

</pallas_src>

<mosaic_0001>
module attributes {stable_mosaic.version = 14 : i64} {
  func.func @_nms_body(%arg0: memref<4x8x640xf32, #tpu.memory_space<vmem>>, %arg1: memref<8x640x4xf32, #tpu.memory_space<vmem>>, %arg2: memref<4x4xf32, #tpu.memory_space<vmem>>, %arg3: memref<304x4xf32, #tpu.memory_space<vmem>>) attributes {dimension_semantics = [], scalar_prefetch = 0 : i64, scratch_operands = 0 : i64, tpu.core_type = #tpu.core_type<tc>} {
    %broadcast_in_dim3A = arith.constant 0.000000e+00 : f32
    %broadcast_in_dim3A_0 = vector.broadcast %broadcast_in_dim3A : f32 to vector<304x4xf32>
    %get3A = arith.constant 0 : index
    %get3A_1 = arith.constant 0 : index
    %get3A_2 = arith.constant 0 : index
    %get3A_3 = vector.load %arg0[%get3A, %get3A_1, %get3A_2] : memref<4x8x640xf32, #tpu.memory_space<vmem>>, vector<1x1x1xf32>
    %get3A_4 = vector.extract %get3A_3[0, 0, 0] : f32 from vector<1x1x1xf32>
    %add3A = vector.broadcast %get3A_4 : f32 to vector<304x4xf32>
    %add3A_5 = arith.addf %broadcast_in_dim3A_0, %add3A : vector<304x4xf32>
    %get3A_6 = arith.constant 0 : index
    %get3A_7 = arith.constant 0 : index
    %get3A_8 = arith.constant 0 : index
    %get3A_9 = vector.load %arg1[%get3A_6, %get3A_7, %get3A_8] : memref<8x640x4xf32, #tpu.memory_space<vmem>>, vector<1x1x1xf32>
    %get3A_10 = vector.extract %get3A_9[0, 0, 0] : f32 from vector<1x1x1xf32>
    %add3A_11 = vector.broadcast %get3A_10 : f32 to vector<304x4xf32>
    %add3A_12 = arith.addf %add3A_5, %add3A_11 : vector<304x4xf32>
    %get3A_13 = arith.constant 0 : index
    %get3A_14 = arith.constant 0 : index
    %get3A_15 = vector.load %arg2[%get3A_13, %get3A_14] : memref<4x4xf32, #tpu.memory_space<vmem>>, vector<1x1xf32>
    %get3A_16 = vector.extract %get3A_15[0, 0] : f32 from vector<1x1xf32>
    %add3A_17 = vector.broadcast %get3A_16 : f32 to vector<304x4xf32>
    %add3A_18 = arith.addf %add3A_12, %add3A_17 : vector<304x4xf32>
    %swap3A = arith.constant 0 : index
    %swap3A_19 = arith.constant 0 : index
    %swap3A_20 = vector.load %arg3[%swap3A, %swap3A_19] : memref<304x4xf32, #tpu.memory_space<vmem>>, vector<304x4xf32>
    tpu.vector_store %arg3[%swap3A, %swap3A_19], %add3A_18 {strides = array<i32>} : memref<304x4xf32, #tpu.memory_space<vmem>>, vector<304x4xf32>,
    return
  }
}

</mosaic_0001>

<sc_bundles>
// kernel: gather_offload_async_start.1
scs
__scs_entry_jumppad:
0x0: {  	(pc) =	sbr.rel $0x88, $3  }
0x1: {  	(tag) =	ssettag $0x0;
	lr =	simm.s32 $0x1  }
0x2: {  	[smem:$0x3F9F] =	sst lr;
	_ =	strace $0xD0000000  }
0x3: {  	_ = 	snop  }
0x4: {  	_ = 	snop  }
0x5: {  	_ = 	snop  }
0x6: {  	_ = 	snop  }
0x7: {  	_ = 	snop  }
__scs_overlays_trampoline_lowered:
0x8: {  	[smem:$0x3FAE] =	sst s0  }
0x9: {  	[smem:$0x3FAF] =	sst s1  }
0xa: {  	[smem:$0x3FB0] =	sst s2  }
0xb: {  	[smem:$0x3FB1] =	sst s3  }
0xc: {  	[smem:$0x3FB2] =	sst s4  }
0xd: {  	[smem:$0x3FB3] =	sst s5  }
0xe: {  	[smem:$0x3FB4] =	sst s6  }
0xf: {  	[smem:$0x3FB5] =	sst s7  }
0x10: {  	[smem:$0x3FB6] =	sst s8  }
0x11: {  	[smem:$0x3FB7] =	sst s9;
	s0 =	simm.s32 @!p0 $0x0  }
0x12: {  	s1 =	sld [smem:$0x3F9D];
	s0 =	simm.s32 @p0 $0x1  }
0x13: {  	[smem:$0x3FB8] =	sst s0;
	s0 =	simm.s32 @!p1 $0x0  }
0x14: {  	s2 =	sld [smem:$0x3F9C];
	s0 =	simm.s32 @p1 $0x1  }
0x15: {  	[smem:$0x3FB9] =	sst s0;
	s0 =	simm.s32 @!p2 $0x0  }
0x16: {  	s3 =	sld [smem:$0x3FDB];
	s0 =	simm.s32 @p2 $0x1  }
0x17: {  	s4 =	simm.s32 $0x1BF5;
	[smem:$0x3FBB] =	sst s0  }
0x18: {  	s0 =	sld [smem:$0x3F9E];
	_ =	swait.ge [sflag:s4], $0x0  }
0x19: {  	s7 =	sld [smem:$0x3F9F]  }
0x1a: {  	s8 =	sadd.s32 $0xFFFFE003, lr  }
0x1b: {  	s9 =	sadd.s32 $0xFFFFFEF7, lr;
	s5 =	simm.s32 $0xFFFFFFFF;
	p2 =	slt.u32 s8, $0xFFFFF086  }
0x1c: {  	p1 =	slt.u32 s9, $0xF7A;
	s5 =	simm.s32 @!p2 $0x0  }
0x1d: {  	s5 =	simm.s32 @p1 $0x1;
	p0 =	seq.s32 s7, s2  }
0x1e: {  	s7 =	smul.u32 @!p0 $0xF7A, s2;
	p2 =	seq.s32 @!p0 s5, $0x0  }
0x1f: {  	s9 =	smul.u32 $0xF7A, s1;
	s8 =	simm.s32 @!p0 $0x1BF5;
	p2 =	por !p2, p0  }
0x20: {  	[sflag:s8] =	ssyncset.s32 @!p0 $0xFFFFF086;
	s6 =	sadd.s32 @!p0 s3, s7;
	s7 =	simm.s32 @!p0 $0x108  }
0x21: {  	s3 =	sadd.s32 s3, s9;
	s6 =	sadd.s32 @!p0 $0x88, s6;
	s7 =	simm.s32 @p2 $0x1082  }
0x22: {  	[simem:s7], [sflag:s8] =	dma.local @!p0 [hbm:s6], $0xF7A  }
0x23: {  	s9 =	sor.u32 $0xD0000000, s2;
	s6 =	simm.s32 $0x108;
	_ =	swait.ge @!p0 [sflag:s8], $0x0  }
0x24: {  	s3 =	sadd.s32 $0x88, s3;
	s6 =	simm.s32 @!p1 $0x1082;
	[sflag:s4] =	ssyncset.s32 $0xFFFFF086  }
0x25: {  	[simem:s6], [sflag:s4] =	dma.local [hbm:s3], $0xF7A  }
0x26: {  	[smem:$0x3F9F] =	sst s1;
	(tag) =	ssettag s2;
	_ =	strace s9  }
0x27: {  	s1 =	sld [smem:$0x3FAF]  }
0x28: {  	s2 =	sld [smem:$0x3FB0]  }
0x29: {  	s4 =	sld [smem:$0x3FB2]  }
0x2a: {  	p0 =	seq.s32 s5, $0x0;
	s5 =	sld [smem:$0x3FB3]  }
0x2b: {  	s6 =	sld [smem:$0x3FB4]  }
0x2c: {  	s7 =	sld [smem:$0x3FB5]  }
0x2d: {  	s3 =	simm.s32 $0x108;
	s8 =	sld [smem:$0x3FB6]  }
0x2e: {  	s3 =	simm.s32 @!p0 $0x1082;
	s9 =	sld [smem:$0x3FB7]  }
0x2f: {  	lr =	sadd.s32 s0, s3;
	s0 =	sld [smem:$0x3FAE]  }
0x30: {  	s3 =	sld [smem:$0x3FB1]  }
0x31: {  	[smem:$0x3FBA] =	sst s10  }
0x32: {  	s10 =	sld [smem:$0x3FB8];
	_ =	sdelay $0x3  }
0x33: {  	p0 =	seq.s32 s10, $0x1;
	s10 =	sld [smem:$0x3FBA];
	_ =	sdelay $0x3  }
0x34: {  	[smem:$0x3FBA] =	sst s10  }
0x35: {  	s10 =	sld [smem:$0x3FB9];
	_ =	sdelay $0x3  }
0x36: {  	p1 =	seq.s32 s10, $0x1;
	s10 =	sld [smem:$0x3FBA];
	_ =	sdelay $0x3  }
0x37: {  	[smem:$0x3FBA] =	sst s10  }
0x38: {  	s10 =	sld [smem:$0x3FBB]  }
0x39: {  	_ = 	snop;
	(pc) =	sbr.ind lr, $3  }
0x3a: {  	_ = 	snop  }
0x3b: {  	_ = 	snop  }
0x3c: {  	p2 =	seq.s32 s10, $0x1;
	s10 =	sld [smem:$0x3FBA]  }
0x3d: {  	_ =	shalt  }
0x3e: {  	_ =	shalt  }
0x3f: {  	_ =	shalt  }
0x40: {  	_ =	shalt  }
0x41: {  	_ =	shalt  }
0x42: {  	_ =	shalt  }
0x43: {  	_ =	shalt  }
0x44: {  	_ =	shalt  }
0x45: {  	_ =	shalt  }
0x46: {  	_ =	shalt  }
0x47: {  	_ =	shalt  }
0x48: {  	_ =	shalt  }
0x49: {  	_ =	shalt  }
0x4a: {  	_ =	shalt  }
0x4b: {  	_ =	shalt  }
0x4c: {  	_ =	shalt  }
0x4d: {  	_ =	shalt  }
0x4e: {  	_ =	shalt  }
0x4f: {  	_ =	shalt  }
0x50: {  	_ =	shalt  }
0x51: {  	_ =	shalt  }
0x52: {  	_ =	shalt  }
0x53: {  	_ =	shalt  }
0x54: {  	_ =	shalt  }
0x55: {  	_ =	shalt  }
0x56: {  	_ =	shalt  }
0x57: {  	_ =	shalt  }
0x58: {  	_ =	shalt  }
0x59: {  	_ =	shalt  }
0x5a: {  	_ =	shalt  }
0x5b: {  	_ =	shalt  }
0x5c: {  	_ =	shalt  }
0x5d: {  	_ =	shalt  }
0x5e: {  	_ =	shalt  }
0x5f: {  	_ =	shalt  }
0x60: {  	_ =	shalt  }
0x61: {  	_ =	shalt  }
0x62: {  	_ =	shalt  }
0x63: {  	_ =	shalt  }
0x64: {  	_ =	shalt  }
0x65: {  	_ =	shalt  }
0x66: {  	_ =	shalt  }
0x67: {  	_ =	shalt  }
0x68: {  	_ =	shalt  }
0x69: {  	_ =	shalt  }
0x6a: {  	_ =	shalt  }
0x6b: {  	_ =	shalt  }
0x6c: {  	_ =	shalt  }
0x6d: {  	_ =	shalt  }
0x6e: {  	_ =	shalt  }
0x6f: {  	_ =	shalt  }
0x70: {  	_ =	shalt  }
0x71: {  	_ =	shalt  }
0x72: {  	_ =	shalt  }
0x73: {  	_ =	shalt  }
0x74: {  	_ =	shalt  }
0x75: {  	_ =	shalt  }
0x76: {  	_ =	shalt  }
0x77: {  	_ =	shalt  }
0x78: {  	_ =	shalt  }
0x79: {  	_ =	shalt  }
0x7a: {  	_ =	shalt  }
0x7b: {  	_ =	shalt  }
0x7c: {  	_ =	shalt  }
0x7d: {  	_ =	shalt  }
0x7e: {  	_ =	shalt  }
0x7f: {  	_ =	shalt  }
0x80: {  	_ =	shalt  }
0x81: {  	_ =	shalt  }
0x82: {  	_ =	shalt  }
0x83: {  	_ =	shalt  }
0x84: {  	_ =	shalt  }
0x85: {  	_ =	shalt  }
0x86: {  	_ =	shalt  }
0x87: {  	_ =	shalt  }
.Lfunc_end0:
.L_simem_size_0:
called_computation.1_lowered:
.L_overlay_start_0:
0x88: {  	s0 =	sld [smem:$0x3FD9]  }
0x89: {  	s1 =	sld [smem:$0x3FFE];
	_ =	sdelay $0x3  }
0x8a: {  	s0 =	sadd.s32 s1, s0  }
0x8b: {  	[smem:$0x3FC6] =	sst s0  }
0x8c: {  	_ = 	snop  }
0x8d: {  	(tm) =	ssettm $0x1  }
0x8e: {  	s15 =	sld [smem:$0x3FFB];
	_ =	sdelay $0x3  }
0x8f: {  	_ =	strace s15  }
0x90: {  	s0 =	sld [smem:$0x3FFC];
	_ =	sdelay $0x3  }
0x91: {  	_ =	strace s0  }
0x92: {  	s0 =	sld [smem:$0x3FFD];
	_ =	sdelay $0x3  }
0x93: {  	_ =	strace s0  }
0x94: {  	_ =	strace $0x8FFFFFFF  }
0x95: {  	s16 =	sld [smem:$0x3FDB];
	_ =	sdelay $0x1  }
0x96: {  	s17 =	simm.s32 $_scs_section_size  }
0x97: {  	s2 =	simm.s32 $_size__tile_overlayer_lowered;
	s3 =	simm.s32 $_tile_overlayer_lowered  }
0x98: {  	s20 =	simm.s32 $0x1BFF;
	s19 =	sshll.u32 s3, $0x1;
	s0 =	sadd.s32 s17, s16  }
0x99: {  	s4 =	simm.s32 $0x0;
	s18 =	sshll.u32 s2, $0x1;
	s2 =	sadd.s32 s19, s0  }
0x9a: {  	[timem:s4], [sflag:s20] =	dma.local [hbm:s2], s18  }
0x9b: {  	_ =	swait.ge [sflag:s20], s18  }
0x9c: {  	s1 =	ssub.s32 $0x0, s18;
	[sflag:s20] =	ssyncset.done $0x0  }
0x9d: {  	[sflag:s20] =	ssyncadd.s32 s1;
	_ =	sdelay $0x1  }
0x9e: {  	s21 =	simm.s32 $0x1B8B  }
0x9f: {  	_ =	swait.ge [sflag:s21], $0x1  }
0xa0: {  	[sflag:s21] =	ssyncset.done $0x0  }
0xa1: {  	s23 =	simm.s32 $0x1B8E;
	s22 =	sld [smem:$0x3FFE];
	[sflag:s21] =	ssyncadd.s32 $0xFFFFFFFF  }
0xa2: {  	s24 =	simm.s32 $execute0_lowered;
	[smem:$0x3FD2] =	sst s23  }
0xa3: {  	s2 =	sshll.u32 s24, $0x1;
	_ =	strace $0x80000049;
	[dreg:$0x1] =	wrdreg $0xFFFFFFFF  }
0xa4: {  	s25 =	simm.s32 $_size_execute0_lowered;
	s0 =	sadd.s32 s0, s2;
	[dreg:$0x0] =	wrdreg $0x0  }
0xa5: {  	s2 =	sshll.u32 s25, $0x1;
	[dreg:$0x2] =	wrdreg s0  }
0xa6: {  	[dreg:$0x3] =	wrdreg s2  }
0xa7: {  	[dreg:$0x4] =	wrdreg $0xC0  }
0xa8: {  	_ =	task [dreg:s4], $0x5FFFF  }
0xa9: {  	[dreg:$0x1] =	wrdreg $0xFFFFFFFF  }
0xaa: {  	[dreg:$0x0] =	wrdreg $0x60  }
0xab: {  	[dreg:$0x2] =	wrdreg s22  }
0xac: {  	[dreg:$0x3] =	wrdreg $0x9  }
0xad: {  	_ =	task.clear_ibuf [dreg:s4], $0x4FFFF;
	_ =	strace $0x90000049  }
0xae: {  	s26 =	simm.s32 $0x9;
	_ =	strace $0x8000004B  }
0xaf: {  	_ =	swait.ge [sflag:s26], $0x1  }
0xb0: {  	[sflag:s26] =	ssyncadd.s32 $0xFFFFFFFF  }
0xb1: {  	_ =	strace $0x9000004B  }
0xb2: {  	_ =	sfence  }
0xb3: {  	s28 =	sld [smem:$0x0];
	_ =	sdelay $0x1  }
0xb4: {  	s29 =	srdreg.scid  }
0xb5: {  	s30 =	sshll.u32 s29, $0xD;
	s31 =	sshrl.u32 s29, $0x2  }
0xb6: {  	s1 =	sand.u32 $0x1, s29;
	s2 =	sand.u32 $0x4000, s30;
	s0 =	sadd.s32 s31, s28  }
0xb7: {  	s1 =	sor.u32 s2, s1;
	s0 =	sshll.u32 s0, $0x11  }
0xb8: {  	s0 =	sor.u32 s0, s1  }
0xb9: {  	s0 =	sadd.s32 $0x8F2B, s0  }
0xba: {  	[sflag:s0] =	ssyncadd.remote.s32 $0x1  }
0xbb: {  	_ =	sfence.sel $0xFFFF  }
0xbc: {  	[dreg:$0x0] =	wrdreg $0xFFFFFFFF;
	(pc) =	sbr.abs _section_cstart, $3  }
0xbd: {  	[dreg:$0x1] =	wrdreg $0xFFFFFFFF  }
0xbe: {  	_ =	task.clear_ibuf [dreg:s4], $0x2FFFF;
	_ =	strace $0x9FFFFFFF  }
0xbf: {  	(tm) =	ssettm $0x7FFFFFFF  }
tec
execute0_lowered:
.L_overlay_start_1:
0x0: {  	(tag) =	ssettag $0x1  }
0x1: {  	s2 =	rddreg [dreg:$0x0]  }
0x2: {  	s0 =	rddreg [dreg:$0x1];
	s1 =	stileid.u32;
	_ =	strace $0x8000004A  }
0x3: {  	s6 =	simm.s32 $0x1;
	s8 =	simm.s32 $0x2;
	s30 =	simm.s32 $0x3  }
0x4: {  	s12 =	simm.s32 $0x0;
	s9 =	simm.s32 $0x0;
	s4 =	sshll.u32 s1, $0x4  }
0x5: {  	s10 =	simm.s32 $0x0;
	s3 =	sadd.s32 $0xC00, s2;
	s7 =	ssub.s32 $0x1380, s4  }
0x6: {  	s5 =	sadd.s32 $0x1000, s2;
	[sflag:s6] =	ssyncpa.u1 $0x0;
	s6 =	sshrl.u32 s7, $0x8  }
0x7: {  	[sflag:s8] =	ssyncpa.u1 $0x0;
	s11 =	smov.u32 s4;
	s31 =	sshll.u32 s6, $0x4  }
0x8: {  	[sflag:s30] =	ssyncpa.u1 $0x0;
	s7 =	sadd.s32 $0x2, s6;
	s8 =	sadd.s32 $0x30, s31  }
.LBB2_1:
0x9: {  	p0 =	sgt.u32 s10, s6  }
0xa: {  	s13 =	sxor.u32 @!p0 $0xFFFFFFFF, s9;
	s14 =	sshrl.u32 @!p0 s11, $0x3  }
0xb: {  	s15 =	sand.u32 @!p0 $0x7, s11;
	s13 =	sand.u32 @!p0 $0x10, s13;
	s14 =	sadd.s32 @!p0 s5, s14  }
0xc: {  	[tilespmem:s13], [sflag:$0x2] =	stream.linear.gather @!p0 [hbm4b:s14+s15], $0x10, $0x38;
	[tilespmem:$0x40] =	vst v63  }
0xd: {  	p0 =	seq.s32 s9, $0x0  }
0xe: {  	p1 =	sge.u32 @!p0 s10, s7  }
0xf: {  	p0 =	por p1, p0  }
0x10: {  	s13 =	simm.s32 @!p0 $0x2  }
0x11: {  	_ =	swait.ge @!p0 [sflag:s13], $0x10  }
0x12: {  	[sflag:s13] =	ssyncset.done @!p0 $0x0  }
0x13: {  	[sflag:s13] =	ssyncadd.s32 @!p0 $0xFFFFFFF0;
	s13 =	sand.u32 @!p0 $0x10, s9  }
0x14: {  	(ifvalue) =	ssetifvalue @!p0 $0x7FFFFFFF;
	v0 =	vld.msk @!p0 [tilespmem:s13+$0x0 ss:$0x1], $0xffff;
	_ =	sdelay $0x4  }
0x15: {  	vm0 =	vgt.s32 @!p0 v0, $0x0  }
0x16: {  	v0 =	vnsel @!p0 vm0, $0x0, v0  }
0x17: {  	v0 =	vmin.u32 @!p0 v0, $0x1387;
	_ =	sdelay $0x3  }
0x18: {  	s14 =	simm.s32 @!p0 $0x0;
	s13 =	sor.u32 @!p0 $0x20, s13;
	(ifvalue) =	ssetifvalue @!p0 $0x7FFFFFFF;
	vm0 =	vmmov @!p0 $0xffff  }
0x19: {  	[tilespmem:s13], [sflag:$0x1] =	stream.indirect_vreg.gather @!p0 [hbm4b:s3+s14], $0x1, v0, vm0, $0x4038;
	[tilespmem:$0x40] =	vst v63  }
0x1a: {  	s14 =	simm.s32 @!p0 $0x1  }
0x1b: {  	_ =	swait.ge @!p0 [sflag:s14], $0x10  }
0x1c: {  	s15 =	sshrl.u32 @!p0 s12, $0x3;
	[sflag:s14] =	ssyncset.done @!p0 $0x0  }
0x1d: {  	s12 =	sand.u32 @!p0 $0x7, s12;
	[sflag:s14] =	ssyncadd.s32 @!p0 $0xFFFFFFF0;
	s14 =	sadd.s32 @!p0 s2, s15  }
0x1e: {  	[hbm4b:s14+s12] =	stream.linear.scatter @!p0 [tilespmem:s13], [sflag:$0x3], $0x10, $0x38;
	[tilespmem:$0x40] =	vst v63  }
0x1f: {  	s14 =	sadd.s32 $0x100, s11  }
0x20: {  	s9 =	sadd.s32 $0x10, s9;
	p1 =	sgt.s32 s14, $0x1387  }
0x21: {  	s14 =	smov.u32 @p1 s4;
	p1 =	sne.s32 s8, s9  }
.Ltmp0:
0x22: {  	p0 =	slt.u32 s10, $0x2;
	(pc) =	sbr.rel @p1 .LBB2_1-.Ltmp0, $4  }
0x23: {  	s13 =	simm.s32 @!p0 $0x3  }
0x24: {  	_ =	swait.ge @!p0 [sflag:s13], $0x10  }
0x25: {  	s12 =	smov.u32 s11;
	[sflag:s13] =	ssyncset.done @!p0 $0x0  }
0x26: {  	s10 =	sadd.s32 $0x1, s10;
	s11 =	smov.u32 s14;
	[sflag:s13] =	ssyncadd.s32 @!p0 $0xFFFFFFF0  }
0x27: {  	_ =	sfence.sel $0x180000  }
0x28: {  	s2 =	simm.s32 $0x2;
	[bflag:$0x0] =	sbarrier.arrive $0xFFFF  }
0x29: {  	s30 =	simm.s32 $0x3;
	[sflag:s2] =	ssyncpa.u1 $0x1  }
0x2a: {  	s31 =	simm.s32 $0x1;
	[sflag:s30] =	ssyncpa.u1 $0x1  }
0x2b: {  	[sflag:s31] =	ssyncpa.u1 $0x1  }
0x2c: {  	p0 =	sne.s32 s1, $0x0;
	_ =	strace $0x9000004A  }
0x2d: {  	s0 =	sadd.s32 @!p0 $0x100000, s0;
	[bflag:$0x2] =	sbarrier.arrive $0xFFFF  }
0x2e: {  	[sflag:s0] =	ssyncadd.tile.s32 @!p0 $0x1;
	_ =	shalt  }
.Lfunc_end2:
_tile_overlayer_lowered:
.L_overlay_start_2:
0x2f: {  	(tag) =	ssettag $0x2  }
0x30: {  	s0 =	rddreg [dreg:$0x0];
	s2 =	stileid.u32  }
0x31: {  	s1 =	rddreg [dreg:$0x1];
	p0 =	sne.s32 s2, $0x0  }
0x32: {  	s3 =	rddreg [dreg:$0x2];
	[bflag:$0x3] =	sbarrier.arrive $0xFFFF;
	s2 =	simm.s32 @!p0 $0x1C01  }
0x33: {  	[timem:s3], [sflag:s2] =	dma.local @!p0 [hbm:s0], s1  }
0x34: {  	s0 =	simm.s32 @!p0 $0x1  }
0x35: {  	_ =	swait.ge @!p0 [sflag:s0], s1  }
0x36: {  	s1 =	ssub.s32 @!p0 $0x0, s1;
	[sflag:s0] =	ssyncset.done @!p0 $0x0  }
0x37: {  	[sflag:s0] =	ssyncadd.s32 @!p0 s1  }
0x38: {  	[bflag:$0x3] =	sbarrier.arrive $0xFFFF  }
0x39: {  	_ =	shalt  }

// kernel: gather_offload_async_start.2
scs
__scs_entry_jumppad:
0x0: {  	(pc) =	sbr.rel $0x88, $3  }
0x1: {  	(tag) =	ssettag $0x0;
	lr =	simm.s32 $0x1  }
0x2: {  	[smem:$0x3F9F] =	sst lr;
	_ =	strace $0xD0000000  }
0x3: {  	_ = 	snop  }
0x4: {  	_ = 	snop  }
0x5: {  	_ = 	snop  }
0x6: {  	_ = 	snop  }
0x7: {  	_ = 	snop  }
__scs_overlays_trampoline_lowered:
0x8: {  	[smem:$0x3FAE] =	sst s0  }
0x9: {  	[smem:$0x3FAF] =	sst s1  }
0xa: {  	[smem:$0x3FB0] =	sst s2  }
0xb: {  	[smem:$0x3FB1] =	sst s3  }
0xc: {  	[smem:$0x3FB2] =	sst s4  }
0xd: {  	[smem:$0x3FB3] =	sst s5  }
0xe: {  	[smem:$0x3FB4] =	sst s6  }
0xf: {  	[smem:$0x3FB5] =	sst s7  }
0x10: {  	[smem:$0x3FB6] =	sst s8  }
0x11: {  	[smem:$0x3FB7] =	sst s9;
	s0 =	simm.s32 @!p0 $0x0  }
0x12: {  	s1 =	sld [smem:$0x3F9D];
	s0 =	simm.s32 @p0 $0x1  }
0x13: {  	[smem:$0x3FB8] =	sst s0;
	s0 =	simm.s32 @!p1 $0x0  }
0x14: {  	s2 =	sld [smem:$0x3F9C];
	s0 =	simm.s32 @p1 $0x1  }
0x15: {  	[smem:$0x3FB9] =	sst s0;
	s0 =	simm.s32 @!p2 $0x0  }
0x16: {  	s3 =	sld [smem:$0x3FDB];
	s0 =	simm.s32 @p2 $0x1  }
0x17: {  	s4 =	simm.s32 $0x1BF5;
	[smem:$0x3FBB] =	sst s0  }
0x18: {  	s0 =	sld [smem:$0x3F9E];
	_ =	swait.ge [sflag:s4], $0x0  }
0x19: {  	s7 =	sld [smem:$0x3F9F]  }
0x1a: {  	s8 =	sadd.s32 $0xFFFFE003, lr  }
0x1b: {  	s9 =	sadd.s32 $0xFFFFFEF7, lr;
	s5 =	simm.s32 $0xFFFFFFFF;
	p2 =	slt.u32 s8, $0xFFFFF086  }
0x1c: {  	p1 =	slt.u32 s9, $0xF7A;
	s5 =	simm.s32 @!p2 $0x0  }
0x1d: {  	s5 =	simm.s32 @p1 $0x1;
	p0 =	seq.s32 s7, s2  }
0x1e: {  	s7 =	smul.u32 @!p0 $0xF7A, s2;
	p2 =	seq.s32 @!p0 s5, $0x0  }
0x1f: {  	s9 =	smul.u32 $0xF7A, s1;
	s8 =	simm.s32 @!p0 $0x1BF5;
	p2 =	por !p2, p0  }
0x20: {  	[sflag:s8] =	ssyncset.s32 @!p0 $0xFFFFF086;
	s6 =	sadd.s32 @!p0 s3, s7;
	s7 =	simm.s32 @!p0 $0x108  }
0x21: {  	s3 =	sadd.s32 s3, s9;
	s6 =	sadd.s32 @!p0 $0x88, s6;
	s7 =	simm.s32 @p2 $0x1082  }
0x22: {  	[simem:s7], [sflag:s8] =	dma.local @!p0 [hbm:s6], $0xF7A  }
0x23: {  	s9 =	sor.u32 $0xD0000000, s2;
	s6 =	simm.s32 $0x108;
	_ =	swait.ge @!p0 [sflag:s8], $0x0  }
0x24: {  	s3 =	sadd.s32 $0x88, s3;
	s6 =	simm.s32 @!p1 $0x1082;
	[sflag:s4] =	ssyncset.s32 $0xFFFFF086  }
0x25: {  	[simem:s6], [sflag:s4] =	dma.local [hbm:s3], $0xF7A  }
0x26: {  	[smem:$0x3F9F] =	sst s1;
	(tag) =	ssettag s2;
	_ =	strace s9  }
0x27: {  	s1 =	sld [smem:$0x3FAF]  }
0x28: {  	s2 =	sld [smem:$0x3FB0]  }
0x29: {  	s4 =	sld [smem:$0x3FB2]  }
0x2a: {  	p0 =	seq.s32 s5, $0x0;
	s5 =	sld [smem:$0x3FB3]  }
0x2b: {  	s6 =	sld [smem:$0x3FB4]  }
0x2c: {  	s7 =	sld [smem:$0x3FB5]  }
0x2d: {  	s3 =	simm.s32 $0x108;
	s8 =	sld [smem:$0x3FB6]  }
0x2e: {  	s3 =	simm.s32 @!p0 $0x1082;
	s9 =	sld [smem:$0x3FB7]  }
0x2f: {  	lr =	sadd.s32 s0, s3;
	s0 =	sld [smem:$0x3FAE]  }
0x30: {  	s3 =	sld [smem:$0x3FB1]  }
0x31: {  	[smem:$0x3FBA] =	sst s10  }
0x32: {  	s10 =	sld [smem:$0x3FB8];
	_ =	sdelay $0x3  }
0x33: {  	p0 =	seq.s32 s10, $0x1;
	s10 =	sld [smem:$0x3FBA];
	_ =	sdelay $0x3  }
0x34: {  	[smem:$0x3FBA] =	sst s10  }
0x35: {  	s10 =	sld [smem:$0x3FB9];
	_ =	sdelay $0x3  }
0x36: {  	p1 =	seq.s32 s10, $0x1;
	s10 =	sld [smem:$0x3FBA];
	_ =	sdelay $0x3  }
0x37: {  	[smem:$0x3FBA] =	sst s10  }
0x38: {  	s10 =	sld [smem:$0x3FBB]  }
0x39: {  	_ = 	snop;
	(pc) =	sbr.ind lr, $3  }
0x3a: {  	_ = 	snop  }
0x3b: {  	_ = 	snop  }
0x3c: {  	p2 =	seq.s32 s10, $0x1;
	s10 =	sld [smem:$0x3FBA]  }
0x3d: {  	_ =	shalt  }
0x3e: {  	_ =	shalt  }
0x3f: {  	_ =	shalt  }
0x40: {  	_ =	shalt  }
0x41: {  	_ =	shalt  }
0x42: {  	_ =	shalt  }
0x43: {  	_ =	shalt  }
0x44: {  	_ =	shalt  }
0x45: {  	_ =	shalt  }
0x46: {  	_ =	shalt  }
0x47: {  	_ =	shalt  }
0x48: {  	_ =	shalt  }
0x49: {  	_ =	shalt  }
0x4a: {  	_ =	shalt  }
0x4b: {  	_ =	shalt  }
0x4c: {  	_ =	shalt  }
0x4d: {  	_ =	shalt  }
0x4e: {  	_ =	shalt  }
0x4f: {  	_ =	shalt  }
0x50: {  	_ =	shalt  }
0x51: {  	_ =	shalt  }
0x52: {  	_ =	shalt  }
0x53: {  	_ =	shalt  }
0x54: {  	_ =	shalt  }
0x55: {  	_ =	shalt  }
0x56: {  	_ =	shalt  }
0x57: {  	_ =	shalt  }
0x58: {  	_ =	shalt  }
0x59: {  	_ =	shalt  }
0x5a: {  	_ =	shalt  }
0x5b: {  	_ =	shalt  }
0x5c: {  	_ =	shalt  }
0x5d: {  	_ =	shalt  }
0x5e: {  	_ =	shalt  }
0x5f: {  	_ =	shalt  }
0x60: {  	_ =	shalt  }
0x61: {  	_ =	shalt  }
0x62: {  	_ =	shalt  }
0x63: {  	_ =	shalt  }
0x64: {  	_ =	shalt  }
0x65: {  	_ =	shalt  }
0x66: {  	_ =	shalt  }
0x67: {  	_ =	shalt  }
0x68: {  	_ =	shalt  }
0x69: {  	_ =	shalt  }
0x6a: {  	_ =	shalt  }
0x6b: {  	_ =	shalt  }
0x6c: {  	_ =	shalt  }
0x6d: {  	_ =	shalt  }
0x6e: {  	_ =	shalt  }
0x6f: {  	_ =	shalt  }
0x70: {  	_ =	shalt  }
0x71: {  	_ =	shalt  }
0x72: {  	_ =	shalt  }
0x73: {  	_ =	shalt  }
0x74: {  	_ =	shalt  }
0x75: {  	_ =	shalt  }
0x76: {  	_ =	shalt  }
0x77: {  	_ =	shalt  }
0x78: {  	_ =	shalt  }
0x79: {  	_ =	shalt  }
0x7a: {  	_ =	shalt  }
0x7b: {  	_ =	shalt  }
0x7c: {  	_ =	shalt  }
0x7d: {  	_ =	shalt  }
0x7e: {  	_ =	shalt  }
0x7f: {  	_ =	shalt  }
0x80: {  	_ =	shalt  }
0x81: {  	_ =	shalt  }
0x82: {  	_ =	shalt  }
0x83: {  	_ =	shalt  }
0x84: {  	_ =	shalt  }
0x85: {  	_ =	shalt  }
0x86: {  	_ =	shalt  }
0x87: {  	_ =	shalt  }
.Lfunc_end0:
.L_simem_size_0:
called_computation.2_lowered:
.L_overlay_start_0:
0x88: {  	s0 =	sld [smem:$0x3FD9]  }
0x89: {  	s1 =	sld [smem:$0x3FFE];
	_ =	sdelay $0x3  }
0x8a: {  	s0 =	sadd.s32 s1, s0  }
0x8b: {  	[smem:$0x3FC6] =	sst s0  }
0x8c: {  	_ = 	snop  }
0x8d: {  	(tm) =	ssettm $0x1  }
0x8e: {  	s15 =	sld [smem:$0x3FFB];
	_ =	sdelay $0x3  }
0x8f: {  	_ =	strace s15  }
0x90: {  	s0 =	sld [smem:$0x3FFC];
	_ =	sdelay $0x3  }
0x91: {  	_ =	strace s0  }
0x92: {  	s0 =	sld [smem:$0x3FFD];
	_ =	sdelay $0x3  }
0x93: {  	_ =	strace s0  }
0x94: {  	_ =	strace $0x8FFFFFFF  }
0x95: {  	s16 =	sld [smem:$0x3FDB];
	_ =	sdelay $0x1  }
0x96: {  	s17 =	simm.s32 $_scs_section_size  }
0x97: {  	s2 =	simm.s32 $_size__tile_overlayer_lowered;
	s3 =	simm.s32 $_tile_overlayer_lowered  }
0x98: {  	s20 =	simm.s32 $0x1BFF;
	s19 =	sshll.u32 s3, $0x1;
	s0 =	sadd.s32 s17, s16  }
0x99: {  	s4 =	simm.s32 $0x0;
	s18 =	sshll.u32 s2, $0x1;
	s2 =	sadd.s32 s19, s0  }
0x9a: {  	[timem:s4], [sflag:s20] =	dma.local [hbm:s2], s18  }
0x9b: {  	_ =	swait.ge [sflag:s20], s18  }
0x9c: {  	s1 =	ssub.s32 $0x0, s18;
	[sflag:s20] =	ssyncset.done $0x0  }
0x9d: {  	[sflag:s20] =	ssyncadd.s32 s1;
	_ =	sdelay $0x1  }
0x9e: {  	s21 =	simm.s32 $0x1B8B  }
0x9f: {  	_ =	swait.ge [sflag:s21], $0x1  }
0xa0: {  	[sflag:s21] =	ssyncset.done $0x0  }
0xa1: {  	s23 =	simm.s32 $0x1B8E;
	s22 =	sld [smem:$0x3FFE];
	[sflag:s21] =	ssyncadd.s32 $0xFFFFFFFF  }
0xa2: {  	s24 =	simm.s32 $execute0_lowered;
	[smem:$0x3FD2] =	sst s23  }
0xa3: {  	s2 =	sshll.u32 s24, $0x1;
	_ =	strace $0x8000004C;
	[dreg:$0x1] =	wrdreg $0xFFFFFFFF  }
0xa4: {  	s25 =	simm.s32 $_size_execute0_lowered;
	s0 =	sadd.s32 s0, s2;
	[dreg:$0x0] =	wrdreg $0x0  }
0xa5: {  	s2 =	sshll.u32 s25, $0x1;
	[dreg:$0x2] =	wrdreg s0  }
0xa6: {  	[dreg:$0x3] =	wrdreg s2  }
0xa7: {  	[dreg:$0x4] =	wrdreg $0xC0  }
0xa8: {  	_ =	task [dreg:s4], $0x5FFFF  }
0xa9: {  	[dreg:$0x1] =	wrdreg $0xFFFFFFFF  }
0xaa: {  	[dreg:$0x0] =	wrdreg $0x60  }
0xab: {  	[dreg:$0x2] =	wrdreg s22  }
0xac: {  	[dreg:$0x3] =	wrdreg $0x9  }
0xad: {  	_ =	task.clear_ibuf [dreg:s4], $0x4FFFF;
	_ =	strace $0x9000004C  }
0xae: {  	s26 =	simm.s32 $0x9;
	_ =	strace $0x8000004E  }
0xaf: {  	_ =	swait.ge [sflag:s26], $0x1  }
0xb0: {  	[sflag:s26] =	ssyncadd.s32 $0xFFFFFFFF  }
0xb1: {  	_ =	strace $0x9000004E  }
0xb2: {  	_ =	sfence  }
0xb3: {  	s28 =	sld [smem:$0x0];
	_ =	sdelay $0x1  }
0xb4: {  	s29 =	srdreg.scid  }
0xb5: {  	s30 =	sshll.u32 s29, $0xD;
	s31 =	sshrl.u32 s29, $0x2  }
0xb6: {  	s1 =	sand.u32 $0x1, s29;
	s2 =	sand.u32 $0x4000, s30;
	s0 =	sadd.s32 s31, s28  }
0xb7: {  	s1 =	sor.u32 s2, s1;
	s0 =	sshll.u32 s0, $0x11  }
0xb8: {  	s0 =	sor.u32 s0, s1  }
0xb9: {  	s0 =	sadd.s32 $0x8F2B, s0  }
0xba: {  	[sflag:s0] =	ssyncadd.remote.s32 $0x1  }
0xbb: {  	_ =	sfence.sel $0xFFFF  }
0xbc: {  	[dreg:$0x0] =	wrdreg $0xFFFFFFFF;
	(pc) =	sbr.abs _section_cstart, $3  }
0xbd: {  	[dreg:$0x1] =	wrdreg $0xFFFFFFFF  }
0xbe: {  	_ =	task.clear_ibuf [dreg:s4], $0x2FFFF;
	_ =	strace $0x9FFFFFFF  }
0xbf: {  	(tm) =	ssettm $0x7FFFFFFF  }
tec
execute0_lowered:
.L_overlay_start_1:
0x0: {  	(tag) =	ssettag $0x1  }
0x1: {  	s2 =	rddreg [dreg:$0x0]  }
0x2: {  	s0 =	rddreg [dreg:$0x1];
	s1 =	stileid.u32;
	_ =	strace $0x8000004D  }
0x3: {  	s6 =	simm.s32 $0x1;
	s8 =	simm.s32 $0x2;
	s30 =	simm.s32 $0x3  }
0x4: {  	s12 =	simm.s32 $0x0;
	s9 =	simm.s32 $0x0;
	s4 =	sshll.u32 s1, $0x4  }
0x5: {  	s10 =	simm.s32 $0x0;
	s3 =	sadd.s32 $0x800, s2;
	s7 =	ssub.s32 $0x1380, s4  }
0x6: {  	s5 =	sadd.s32 $0x1000, s2;
	[sflag:s6] =	ssyncpa.u1 $0x0;
	s6 =	sshrl.u32 s7, $0x8  }
0x7: {  	[sflag:s8] =	ssyncpa.u1 $0x0;
	s11 =	smov.u32 s4;
	s31 =	sshll.u32 s6, $0x4  }
0x8: {  	[sflag:s30] =	ssyncpa.u1 $0x0;
	s7 =	sadd.s32 $0x2, s6;
	s8 =	sadd.s32 $0x30, s31  }
.LBB2_1:
0x9: {  	p0 =	sgt.u32 s10, s6  }
0xa: {  	s13 =	sxor.u32 @!p0 $0xFFFFFFFF, s9;
	s14 =	sshrl.u32 @!p0 s11, $0x3  }
0xb: {  	s15 =	sand.u32 @!p0 $0x7, s11;
	s13 =	sand.u32 @!p0 $0x10, s13;
	s14 =	sadd.s32 @!p0 s5, s14  }
0xc: {  	[tilespmem:s13], [sflag:$0x2] =	stream.linear.gather @!p0 [hbm4b:s14+s15], $0x10, $0x38;
	[tilespmem:$0x40] =	vst v63  }
0xd: {  	p0 =	seq.s32 s9, $0x0  }
0xe: {  	p1 =	sge.u32 @!p0 s10, s7  }
0xf: {  	p0 =	por p1, p0  }
0x10: {  	s13 =	simm.s32 @!p0 $0x2  }
0x11: {  	_ =	swait.ge @!p0 [sflag:s13], $0x10  }
0x12: {  	[sflag:s13] =	ssyncset.done @!p0 $0x0  }
0x13: {  	[sflag:s13] =	ssyncadd.s32 @!p0 $0xFFFFFFF0;
	s13 =	sand.u32 @!p0 $0x10, s9  }
0x14: {  	(ifvalue) =	ssetifvalue @!p0 $0x7FFFFFFF;
	v0 =	vld.msk @!p0 [tilespmem:s13+$0x0 ss:$0x1], $0xffff;
	_ =	sdelay $0x4  }
0x15: {  	vm0 =	vgt.s32 @!p0 v0, $0x0  }
0x16: {  	v0 =	vnsel @!p0 vm0, $0x0, v0  }
0x17: {  	v0 =	vmin.u32 @!p0 v0, $0x1387;
	_ =	sdelay $0x3  }
0x18: {  	s14 =	simm.s32 @!p0 $0x0;
	s13 =	sor.u32 @!p0 $0x20, s13;
	(ifvalue) =	ssetifvalue @!p0 $0x7FFFFFFF;
	vm0 =	vmmov @!p0 $0xffff  }
0x19: {  	[tilespmem:s13], [sflag:$0x1] =	stream.indirect_vreg.gather @!p0 [hbm4b:s3+s14], $0x1, v0, vm0, $0x4038;
	[tilespmem:$0x40] =	vst v63  }
0x1a: {  	s14 =	simm.s32 @!p0 $0x1  }
0x1b: {  	_ =	swait.ge @!p0 [sflag:s14], $0x10  }
0x1c: {  	s15 =	sshrl.u32 @!p0 s12, $0x3;
	[sflag:s14] =	ssyncset.done @!p0 $0x0  }
0x1d: {  	s12 =	sand.u32 @!p0 $0x7, s12;
	[sflag:s14] =	ssyncadd.s32 @!p0 $0xFFFFFFF0;
	s14 =	sadd.s32 @!p0 s2, s15  }
0x1e: {  	[hbm4b:s14+s12] =	stream.linear.scatter @!p0 [tilespmem:s13], [sflag:$0x3], $0x10, $0x38;
	[tilespmem:$0x40] =	vst v63  }
0x1f: {  	s14 =	sadd.s32 $0x100, s11  }
0x20: {  	s9 =	sadd.s32 $0x10, s9;
	p1 =	sgt.s32 s14, $0x1387  }
0x21: {  	s14 =	smov.u32 @p1 s4;
	p1 =	sne.s32 s8, s9  }
.Ltmp0:
0x22: {  	p0 =	slt.u32 s10, $0x2;
	(pc) =	sbr.rel @p1 .LBB2_1-.Ltmp0, $4  }
0x23: {  	s13 =	simm.s32 @!p0 $0x3  }
0x24: {  	_ =	swait.ge @!p0 [sflag:s13], $0x10  }
0x25: {  	s12 =	smov.u32 s11;
	[sflag:s13] =	ssyncset.done @!p0 $0x0  }
0x26: {  	s10 =	sadd.s32 $0x1, s10;
	s11 =	smov.u32 s14;
	[sflag:s13] =	ssyncadd.s32 @!p0 $0xFFFFFFF0  }
0x27: {  	_ =	sfence.sel $0x180000  }
0x28: {  	s2 =	simm.s32 $0x2;
	[bflag:$0x0] =	sbarrier.arrive $0xFFFF  }
0x29: {  	s30 =	simm.s32 $0x3;
	[sflag:s2] =	ssyncpa.u1 $0x1  }
0x2a: {  	s31 =	simm.s32 $0x1;
	[sflag:s30] =	ssyncpa.u1 $0x1  }
0x2b: {  	[sflag:s31] =	ssyncpa.u1 $0x1  }
0x2c: {  	p0 =	sne.s32 s1, $0x0;
	_ =	strace $0x9000004D  }
0x2d: {  	s0 =	sadd.s32 @!p0 $0x100000, s0;
	[bflag:$0x2] =	sbarrier.arrive $0xFFFF  }
0x2e: {  	[sflag:s0] =	ssyncadd.tile.s32 @!p0 $0x1;
	_ =	shalt  }
.Lfunc_end2:
_tile_overlayer_lowered:
.L_overlay_start_2:
0x2f: {  	(tag) =	ssettag $0x2  }
0x30: {  	s0 =	rddreg [dreg:$0x0];
	s2 =	stileid.u32  }
0x31: {  	s1 =	rddreg [dreg:$0x1];
	p0 =	sne.s32 s2, $0x0  }
0x32: {  	s3 =	rddreg [dreg:$0x2];
	[bflag:$0x3] =	sbarrier.arrive $0xFFFF;
	s2 =	simm.s32 @!p0 $0x1C01  }
0x33: {  	[timem:s3], [sflag:s2] =	dma.local @!p0 [hbm:s0], s1  }
0x34: {  	s0 =	simm.s32 @!p0 $0x1  }
0x35: {  	_ =	swait.ge @!p0 [sflag:s0], s1  }
0x36: {  	s1 =	ssub.s32 @!p0 $0x0, s1;
	[sflag:s0] =	ssyncset.done @!p0 $0x0  }
0x37: {  	[sflag:s0] =	ssyncadd.s32 @!p0 s1  }
0x38: {  	[bflag:$0x3] =	sbarrier.arrive $0xFFFF  }
0x39: {  	_ =	shalt  }

// kernel: gather_offload_async_start.3
scs
__scs_entry_jumppad:
0x0: {  	(pc) =	sbr.rel $0x88, $3  }
0x1: {  	(tag) =	ssettag $0x0;
	lr =	simm.s32 $0x1  }
0x2: {  	[smem:$0x3F9F] =	sst lr;
	_ =	strace $0xD0000000  }
0x3: {  	_ = 	snop  }
0x4: {  	_ = 	snop  }
0x5: {  	_ = 	snop  }
0x6: {  	_ = 	snop  }
0x7: {  	_ = 	snop  }
__scs_overlays_trampoline_lowered:
0x8: {  	[smem:$0x3FAE] =	sst s0  }
0x9: {  	[smem:$0x3FAF] =	sst s1  }
0xa: {  	[smem:$0x3FB0] =	sst s2  }
0xb: {  	[smem:$0x3FB1] =	sst s3  }
0xc: {  	[smem:$0x3FB2] =	sst s4  }
0xd: {  	[smem:$0x3FB3] =	sst s5  }
0xe: {  	[smem:$0x3FB4] =	sst s6  }
0xf: {  	[smem:$0x3FB5] =	sst s7  }
0x10: {  	[smem:$0x3FB6] =	sst s8  }
0x11: {  	[smem:$0x3FB7] =	sst s9;
	s0 =	simm.s32 @!p0 $0x0  }
0x12: {  	s1 =	sld [smem:$0x3F9D];
	s0 =	simm.s32 @p0 $0x1  }
0x13: {  	[smem:$0x3FB8] =	sst s0;
	s0 =	simm.s32 @!p1 $0x0  }
0x14: {  	s2 =	sld [smem:$0x3F9C];
	s0 =	simm.s32 @p1 $0x1  }
0x15: {  	[smem:$0x3FB9] =	sst s0;
	s0 =	simm.s32 @!p2 $0x0  }
0x16: {  	s3 =	sld [smem:$0x3FDB];
	s0 =	simm.s32 @p2 $0x1  }
0x17: {  	s4 =	simm.s32 $0x1BF5;
	[smem:$0x3FBB] =	sst s0  }
0x18: {  	s0 =	sld [smem:$0x3F9E];
	_ =	swait.ge [sflag:s4], $0x0  }
0x19: {  	s7 =	sld [smem:$0x3F9F]  }
0x1a: {  	s8 =	sadd.s32 $0xFFFFE003, lr  }
0x1b: {  	s9 =	sadd.s32 $0xFFFFFEF7, lr;
	s5 =	simm.s32 $0xFFFFFFFF;
	p2 =	slt.u32 s8, $0xFFFFF086  }
0x1c: {  	p1 =	slt.u32 s9, $0xF7A;
	s5 =	simm.s32 @!p2 $0x0  }
0x1d: {  	s5 =	simm.s32 @p1 $0x1;
	p0 =	seq.s32 s7, s2  }
0x1e: {  	s7 =	smul.u32 @!p0 $0xF7A, s2;
	p2 =	seq.s32 @!p0 s5, $0x0  }
0x1f: {  	s9 =	smul.u32 $0xF7A, s1;
	s8 =	simm.s32 @!p0 $0x1BF5;
	p2 =	por !p2, p0  }
0x20: {  	[sflag:s8] =	ssyncset.s32 @!p0 $0xFFFFF086;
	s6 =	sadd.s32 @!p0 s3, s7;
	s7 =	simm.s32 @!p0 $0x108  }
0x21: {  	s3 =	sadd.s32 s3, s9;
	s6 =	sadd.s32 @!p0 $0x88, s6;
	s7 =	simm.s32 @p2 $0x1082  }
0x22: {  	[simem:s7], [sflag:s8] =	dma.local @!p0 [hbm:s6], $0xF7A  }
0x23: {  	s9 =	sor.u32 $0xD0000000, s2;
	s6 =	simm.s32 $0x108;
	_ =	swait.ge @!p0 [sflag:s8], $0x0  }
0x24: {  	s3 =	sadd.s32 $0x88, s3;
	s6 =	simm.s32 @!p1 $0x1082;
	[sflag:s4] =	ssyncset.s32 $0xFFFFF086  }
0x25: {  	[simem:s6], [sflag:s4] =	dma.local [hbm:s3], $0xF7A  }
0x26: {  	[smem:$0x3F9F] =	sst s1;
	(tag) =	ssettag s2;
	_ =	strace s9  }
0x27: {  	s1 =	sld [smem:$0x3FAF]  }
0x28: {  	s2 =	sld [smem:$0x3FB0]  }
0x29: {  	s4 =	sld [smem:$0x3FB2]  }
0x2a: {  	p0 =	seq.s32 s5, $0x0;
	s5 =	sld [smem:$0x3FB3]  }
0x2b: {  	s6 =	sld [smem:$0x3FB4]  }
0x2c: {  	s7 =	sld [smem:$0x3FB5]  }
0x2d: {  	s3 =	simm.s32 $0x108;
	s8 =	sld [smem:$0x3FB6]  }
0x2e: {  	s3 =	simm.s32 @!p0 $0x1082;
	s9 =	sld [smem:$0x3FB7]  }
0x2f: {  	lr =	sadd.s32 s0, s3;
	s0 =	sld [smem:$0x3FAE]  }
0x30: {  	s3 =	sld [smem:$0x3FB1]  }
0x31: {  	[smem:$0x3FBA] =	sst s10  }
0x32: {  	s10 =	sld [smem:$0x3FB8];
	_ =	sdelay $0x3  }
0x33: {  	p0 =	seq.s32 s10, $0x1;
	s10 =	sld [smem:$0x3FBA];
	_ =	sdelay $0x3  }
0x34: {  	[smem:$0x3FBA] =	sst s10  }
0x35: {  	s10 =	sld [smem:$0x3FB9];
	_ =	sdelay $0x3  }
0x36: {  	p1 =	seq.s32 s10, $0x1;
	s10 =	sld [smem:$0x3FBA];
	_ =	sdelay $0x3  }
0x37: {  	[smem:$0x3FBA] =	sst s10  }
0x38: {  	s10 =	sld [smem:$0x3FBB]  }
0x39: {  	_ = 	snop;
	(pc) =	sbr.ind lr, $3  }
0x3a: {  	_ = 	snop  }
0x3b: {  	_ = 	snop  }
0x3c: {  	p2 =	seq.s32 s10, $0x1;
	s10 =	sld [smem:$0x3FBA]  }
0x3d: {  	_ =	shalt  }
0x3e: {  	_ =	shalt  }
0x3f: {  	_ =	shalt  }
0x40: {  	_ =	shalt  }
0x41: {  	_ =	shalt  }
0x42: {  	_ =	shalt  }
0x43: {  	_ =	shalt  }
0x44: {  	_ =	shalt  }
0x45: {  	_ =	shalt  }
0x46: {  	_ =	shalt  }
0x47: {  	_ =	shalt  }
0x48: {  	_ =	shalt  }
0x49: {  	_ =	shalt  }
0x4a: {  	_ =	shalt  }
0x4b: {  	_ =	shalt  }
0x4c: {  	_ =	shalt  }
0x4d: {  	_ =	shalt  }
0x4e: {  	_ =	shalt  }
0x4f: {  	_ =	shalt  }
0x50: {  	_ =	shalt  }
0x51: {  	_ =	shalt  }
0x52: {  	_ =	shalt  }
0x53: {  	_ =	shalt  }
0x54: {  	_ =	shalt  }
0x55: {  	_ =	shalt  }
0x56: {  	_ =	shalt  }
0x57: {  	_ =	shalt  }
0x58: {  	_ =	shalt  }
0x59: {  	_ =	shalt  }
0x5a: {  	_ =	shalt  }
0x5b: {  	_ =	shalt  }
0x5c: {  	_ =	shalt  }
0x5d: {  	_ =	shalt  }
0x5e: {  	_ =	shalt  }
0x5f: {  	_ =	shalt  }
0x60: {  	_ =	shalt  }
0x61: {  	_ =	shalt  }
0x62: {  	_ =	shalt  }
0x63: {  	_ =	shalt  }
0x64: {  	_ =	shalt  }
0x65: {  	_ =	shalt  }
0x66: {  	_ =	shalt  }
0x67: {  	_ =	shalt  }
0x68: {  	_ =	shalt  }
0x69: {  	_ =	shalt  }
0x6a: {  	_ =	shalt  }
0x6b: {  	_ =	shalt  }
0x6c: {  	_ =	shalt  }
0x6d: {  	_ =	shalt  }
0x6e: {  	_ =	shalt  }
0x6f: {  	_ =	shalt  }
0x70: {  	_ =	shalt  }
0x71: {  	_ =	shalt  }
0x72: {  	_ =	shalt  }
0x73: {  	_ =	shalt  }
0x74: {  	_ =	shalt  }
0x75: {  	_ =	shalt  }
0x76: {  	_ =	shalt  }
0x77: {  	_ =	shalt  }
0x78: {  	_ =	shalt  }
0x79: {  	_ =	shalt  }
0x7a: {  	_ =	shalt  }
0x7b: {  	_ =	shalt  }
0x7c: {  	_ =	shalt  }
0x7d: {  	_ =	shalt  }
0x7e: {  	_ =	shalt  }
0x7f: {  	_ =	shalt  }
0x80: {  	_ =	shalt  }
0x81: {  	_ =	shalt  }
0x82: {  	_ =	shalt  }
0x83: {  	_ =	shalt  }
0x84: {  	_ =	shalt  }
0x85: {  	_ =	shalt  }
0x86: {  	_ =	shalt  }
0x87: {  	_ =	shalt  }
.Lfunc_end0:
.L_simem_size_0:
called_computation.3_lowered:
.L_overlay_start_0:
0x88: {  	s0 =	sld [smem:$0x3FD9]  }
0x89: {  	s1 =	sld [smem:$0x3FFE];
	_ =	sdelay $0x3  }
0x8a: {  	s0 =	sadd.s32 s1, s0  }
0x8b: {  	[smem:$0x3FC6] =	sst s0  }
0x8c: {  	_ = 	snop  }
0x8d: {  	(tm) =	ssettm $0x1  }
0x8e: {  	s15 =	sld [smem:$0x3FFB];
	_ =	sdelay $0x3  }
0x8f: {  	_ =	strace s15  }
0x90: {  	s0 =	sld [smem:$0x3FFC];
	_ =	sdelay $0x3  }
0x91: {  	_ =	strace s0  }
0x92: {  	s0 =	sld [smem:$0x3FFD];
	_ =	sdelay $0x3  }
0x93: {  	_ =	strace s0  }
0x94: {  	_ =	strace $0x8FFFFFFF  }
0x95: {  	s16 =	sld [smem:$0x3FDB];
	_ =	sdelay $0x1  }
0x96: {  	s17 =	simm.s32 $_scs_section_size  }
0x97: {  	s2 =	simm.s32 $_size__tile_overlayer_lowered;
	s3 =	simm.s32 $_tile_overlayer_lowered  }
0x98: {  	s20 =	simm.s32 $0x1BFF;
	s19 =	sshll.u32 s3, $0x1;
	s0 =	sadd.s32 s17, s16  }
0x99: {  	s4 =	simm.s32 $0x0;
	s18 =	sshll.u32 s2, $0x1;
	s2 =	sadd.s32 s19, s0  }
0x9a: {  	[timem:s4], [sflag:s20] =	dma.local [hbm:s2], s18  }
0x9b: {  	_ =	swait.ge [sflag:s20], s18  }
0x9c: {  	s1 =	ssub.s32 $0x0, s18;
	[sflag:s20] =	ssyncset.done $0x0  }
0x9d: {  	[sflag:s20] =	ssyncadd.s32 s1;
	_ =	sdelay $0x1  }
0x9e: {  	s21 =	simm.s32 $0x1B8B  }
0x9f: {  	_ =	swait.ge [sflag:s21], $0x1  }
0xa0: {  	[sflag:s21] =	ssyncset.done $0x0  }
0xa1: {  	s23 =	simm.s32 $0x1B8E;
	s22 =	sld [smem:$0x3FFE];
	[sflag:s21] =	ssyncadd.s32 $0xFFFFFFFF  }
0xa2: {  	s24 =	simm.s32 $execute0_lowered;
	[smem:$0x3FD2] =	sst s23  }
0xa3: {  	s2 =	sshll.u32 s24, $0x1;
	_ =	strace $0x8000004F;
	[dreg:$0x1] =	wrdreg $0xFFFFFFFF  }
0xa4: {  	s25 =	simm.s32 $_size_execute0_lowered;
	s0 =	sadd.s32 s0, s2;
	[dreg:$0x0] =	wrdreg $0x0  }
0xa5: {  	s2 =	sshll.u32 s25, $0x1;
	[dreg:$0x2] =	wrdreg s0  }
0xa6: {  	[dreg:$0x3] =	wrdreg s2  }
0xa7: {  	[dreg:$0x4] =	wrdreg $0xC0  }
0xa8: {  	_ =	task [dreg:s4], $0x5FFFF  }
0xa9: {  	[dreg:$0x1] =	wrdreg $0xFFFFFFFF  }
0xaa: {  	[dreg:$0x0] =	wrdreg $0x60  }
0xab: {  	[dreg:$0x2] =	wrdreg s22  }
0xac: {  	[dreg:$0x3] =	wrdreg $0x9  }
0xad: {  	_ =	task.clear_ibuf [dreg:s4], $0x4FFFF;
	_ =	strace $0x9000004F  }
0xae: {  	s26 =	simm.s32 $0x9;
	_ =	strace $0x80000051  }
0xaf: {  	_ =	swait.ge [sflag:s26], $0x1  }
0xb0: {  	[sflag:s26] =	ssyncadd.s32 $0xFFFFFFFF  }
0xb1: {  	_ =	strace $0x90000051  }
0xb2: {  	_ =	sfence  }
0xb3: {  	s28 =	sld [smem:$0x0];
	_ =	sdelay $0x1  }
0xb4: {  	s29 =	srdreg.scid  }
0xb5: {  	s30 =	sshll.u32 s29, $0xD;
	s31 =	sshrl.u32 s29, $0x2  }
0xb6: {  	s1 =	sand.u32 $0x1, s29;
	s2 =	sand.u32 $0x4000, s30;
	s0 =	sadd.s32 s31, s28  }
0xb7: {  	s1 =	sor.u32 s2, s1;
	s0 =	sshll.u32 s0, $0x11  }
0xb8: {  	s0 =	sor.u32 s0, s1  }
0xb9: {  	s0 =	sadd.s32 $0x8F2B, s0  }
0xba: {  	[sflag:s0] =	ssyncadd.remote.s32 $0x1  }
0xbb: {  	_ =	sfence.sel $0xFFFF  }
0xbc: {  	[dreg:$0x0] =	wrdreg $0xFFFFFFFF;
	(pc) =	sbr.abs _section_cstart, $3  }
0xbd: {  	[dreg:$0x1] =	wrdreg $0xFFFFFFFF  }
0xbe: {  	_ =	task.clear_ibuf [dreg:s4], $0x2FFFF;
	_ =	strace $0x9FFFFFFF  }
0xbf: {  	(tm) =	ssettm $0x7FFFFFFF  }
tec
execute0_lowered:
.L_overlay_start_1:
0x0: {  	(tag) =	ssettag $0x1  }
0x1: {  	s2 =	rddreg [dreg:$0x0]  }
0x2: {  	s0 =	rddreg [dreg:$0x1];
	s1 =	stileid.u32;
	_ =	strace $0x80000050  }
0x3: {  	s6 =	simm.s32 $0x1;
	s8 =	simm.s32 $0x2;
	s30 =	simm.s32 $0x3  }
0x4: {  	s12 =	simm.s32 $0x0;
	s9 =	simm.s32 $0x0;
	s4 =	sshll.u32 s1, $0x4  }
0x5: {  	s10 =	simm.s32 $0x0;
	s3 =	sadd.s32 $0x400, s2;
	s7 =	ssub.s32 $0x1380, s4  }
0x6: {  	s5 =	sadd.s32 $0x1000, s2;
	[sflag:s6] =	ssyncpa.u1 $0x0;
	s6 =	sshrl.u32 s7, $0x8  }
0x7: {  	[sflag:s8] =	ssyncpa.u1 $0x0;
	s11 =	smov.u32 s4;
	s31 =	sshll.u32 s6, $0x4  }
0x8: {  	[sflag:s30] =	ssyncpa.u1 $0x0;
	s7 =	sadd.s32 $0x2, s6;
	s8 =	sadd.s32 $0x30, s31  }
.LBB2_1:
0x9: {  	p0 =	sgt.u32 s10, s6  }
0xa: {  	s13 =	sxor.u32 @!p0 $0xFFFFFFFF, s9;
	s14 =	sshrl.u32 @!p0 s11, $0x3  }
0xb: {  	s15 =	sand.u32 @!p0 $0x7, s11;
	s13 =	sand.u32 @!p0 $0x10, s13;
	s14 =	sadd.s32 @!p0 s5, s14  }
0xc: {  	[tilespmem:s13], [sflag:$0x2] =	stream.linear.gather @!p0 [hbm4b:s14+s15], $0x10, $0x38;
	[tilespmem:$0x40] =	vst v63  }
0xd: {  	p0 =	seq.s32 s9, $0x0  }
0xe: {  	p1 =	sge.u32 @!p0 s10, s7  }
0xf: {  	p0 =	por p1, p0  }
0x10: {  	s13 =	simm.s32 @!p0 $0x2  }
0x11: {  	_ =	swait.ge @!p0 [sflag:s13], $0x10  }
0x12: {  	[sflag:s13] =	ssyncset.done @!p0 $0x0  }
0x13: {  	[sflag:s13] =	ssyncadd.s32 @!p0 $0xFFFFFFF0;
	s13 =	sand.u32 @!p0 $0x10, s9  }
0x14: {  	(ifvalue) =	ssetifvalue @!p0 $0x7FFFFFFF;
	v0 =	vld.msk @!p0 [tilespmem:s13+$0x0 ss:$0x1], $0xffff;
	_ =	sdelay $0x4  }
0x15: {  	vm0 =	vgt.s32 @!p0 v0, $0x0  }
0x16: {  	v0 =	vnsel @!p0 vm0, $0x0, v0  }
0x17: {  	v0 =	vmin.u32 @!p0 v0, $0x1387;
	_ =	sdelay $0x3  }
0x18: {  	s14 =	simm.s32 @!p0 $0x0;
	s13 =	sor.u32 @!p0 $0x20, s13;
	(ifvalue) =	ssetifvalue @!p0 $0x7FFFFFFF;
	vm0 =	vmmov @!p0 $0xffff  }
0x19: {  	[tilespmem:s13], [sflag:$0x1] =	stream.indirect_vreg.gather @!p0 [hbm4b:s3+s14], $0x1, v0, vm0, $0x4038;
	[tilespmem:$0x40] =	vst v63  }
0x1a: {  	s14 =	simm.s32 @!p0 $0x1  }
0x1b: {  	_ =	swait.ge @!p0 [sflag:s14], $0x10  }
0x1c: {  	s15 =	sshrl.u32 @!p0 s12, $0x3;
	[sflag:s14] =	ssyncset.done @!p0 $0x0  }
0x1d: {  	s12 =	sand.u32 @!p0 $0x7, s12;
	[sflag:s14] =	ssyncadd.s32 @!p0 $0xFFFFFFF0;
	s14 =	sadd.s32 @!p0 s2, s15  }
0x1e: {  	[hbm4b:s14+s12] =	stream.linear.scatter @!p0 [tilespmem:s13], [sflag:$0x3], $0x10, $0x38;
	[tilespmem:$0x40] =	vst v63  }
0x1f: {  	s14 =	sadd.s32 $0x100, s11  }
0x20: {  	s9 =	sadd.s32 $0x10, s9;
	p1 =	sgt.s32 s14, $0x1387  }
0x21: {  	s14 =	smov.u32 @p1 s4;
	p1 =	sne.s32 s8, s9  }
.Ltmp0:
0x22: {  	p0 =	slt.u32 s10, $0x2;
	(pc) =	sbr.rel @p1 .LBB2_1-.Ltmp0, $4  }
0x23: {  	s13 =	simm.s32 @!p0 $0x3  }
0x24: {  	_ =	swait.ge @!p0 [sflag:s13], $0x10  }
0x25: {  	s12 =	smov.u32 s11;
	[sflag:s13] =	ssyncset.done @!p0 $0x0  }
0x26: {  	s10 =	sadd.s32 $0x1, s10;
	s11 =	smov.u32 s14;
	[sflag:s13] =	ssyncadd.s32 @!p0 $0xFFFFFFF0  }
0x27: {  	_ =	sfence.sel $0x180000  }
0x28: {  	s2 =	simm.s32 $0x2;
	[bflag:$0x0] =	sbarrier.arrive $0xFFFF  }
0x29: {  	s30 =	simm.s32 $0x3;
	[sflag:s2] =	ssyncpa.u1 $0x1  }
0x2a: {  	s31 =	simm.s32 $0x1;
	[sflag:s30] =	ssyncpa.u1 $0x1  }
0x2b: {  	[sflag:s31] =	ssyncpa.u1 $0x1  }
0x2c: {  	p0 =	sne.s32 s1, $0x0;
	_ =	strace $0x90000050  }
0x2d: {  	s0 =	sadd.s32 @!p0 $0x100000, s0;
	[bflag:$0x2] =	sbarrier.arrive $0xFFFF  }
0x2e: {  	[sflag:s0] =	ssyncadd.tile.s32 @!p0 $0x1;
	_ =	shalt  }
.Lfunc_end2:
_tile_overlayer_lowered:
.L_overlay_start_2:
0x2f: {  	(tag) =	ssettag $0x2  }
0x30: {  	s0 =	rddreg [dreg:$0x0];
	s2 =	stileid.u32  }
0x31: {  	s1 =	rddreg [dreg:$0x1];
	p0 =	sne.s32 s2, $0x0  }
0x32: {  	s3 =	rddreg [dreg:$0x2];
	[bflag:$0x3] =	sbarrier.arrive $0xFFFF;
	s2 =	simm.s32 @!p0 $0x1C01  }
0x33: {  	[timem:s3], [sflag:s2] =	dma.local @!p0 [hbm:s0], s1  }
0x34: {  	s0 =	simm.s32 @!p0 $0x1  }
0x35: {  	_ =	swait.ge @!p0 [sflag:s0], s1  }
0x36: {  	s1 =	ssub.s32 @!p0 $0x0, s1;
	[sflag:s0] =	ssyncset.done @!p0 $0x0  }
0x37: {  	[sflag:s0] =	ssyncadd.s32 @!p0 s1  }
0x38: {  	[bflag:$0x3] =	sbarrier.arrive $0xFFFF  }
0x39: {  	_ =	shalt  }

// kernel: gather_offload_async_start
scs
__scs_entry_jumppad:
0x0: {  	(pc) =	sbr.rel $0x88, $3  }
0x1: {  	(tag) =	ssettag $0x0;
	lr =	simm.s32 $0x1  }
0x2: {  	[smem:$0x3F9F] =	sst lr;
	_ =	strace $0xD0000000  }
0x3: {  	_ = 	snop  }
0x4: {  	_ = 	snop  }
0x5: {  	_ = 	snop  }
0x6: {  	_ = 	snop  }
0x7: {  	_ = 	snop  }
__scs_overlays_trampoline_lowered:
0x8: {  	[smem:$0x3FAE] =	sst s0  }
0x9: {  	[smem:$0x3FAF] =	sst s1  }
0xa: {  	[smem:$0x3FB0] =	sst s2  }
0xb: {  	[smem:$0x3FB1] =	sst s3  }
0xc: {  	[smem:$0x3FB2] =	sst s4  }
0xd: {  	[smem:$0x3FB3] =	sst s5  }
0xe: {  	[smem:$0x3FB4] =	sst s6  }
0xf: {  	[smem:$0x3FB5] =	sst s7  }
0x10: {  	[smem:$0x3FB6] =	sst s8  }
0x11: {  	[smem:$0x3FB7] =	sst s9;
	s0 =	simm.s32 @!p0 $0x0  }
0x12: {  	s1 =	sld [smem:$0x3F9D];
	s0 =	simm.s32 @p0 $0x1  }
0x13: {  	[smem:$0x3FB8] =	sst s0;
	s0 =	simm.s32 @!p1 $0x0  }
0x14: {  	s2 =	sld [smem:$0x3F9C];
	s0 =	simm.s32 @p1 $0x1  }
0x15: {  	[smem:$0x3FB9] =	sst s0;
	s0 =	simm.s32 @!p2 $0x0  }
0x16: {  	s3 =	sld [smem:$0x3FDB];
	s0 =	simm.s32 @p2 $0x1  }
0x17: {  	s4 =	simm.s32 $0x1BF5;
	[smem:$0x3FBB] =	sst s0  }
0x18: {  	s0 =	sld [smem:$0x3F9E];
	_ =	swait.ge [sflag:s4], $0x0  }
0x19: {  	s7 =	sld [smem:$0x3F9F]  }
0x1a: {  	s8 =	sadd.s32 $0xFFFFE003, lr  }
0x1b: {  	s9 =	sadd.s32 $0xFFFFFEF7, lr;
	s5 =	simm.s32 $0xFFFFFFFF;
	p2 =	slt.u32 s8, $0xFFFFF086  }
0x1c: {  	p1 =	slt.u32 s9, $0xF7A;
	s5 =	simm.s32 @!p2 $0x0  }
0x1d: {  	s5 =	simm.s32 @p1 $0x1;
	p0 =	seq.s32 s7, s2  }
0x1e: {  	s7 =	smul.u32 @!p0 $0xF7A, s2;
	p2 =	seq.s32 @!p0 s5, $0x0  }
0x1f: {  	s9 =	smul.u32 $0xF7A, s1;
	s8 =	simm.s32 @!p0 $0x1BF5;
	p2 =	por !p2, p0  }
0x20: {  	[sflag:s8] =	ssyncset.s32 @!p0 $0xFFFFF086;
	s6 =	sadd.s32 @!p0 s3, s7;
	s7 =	simm.s32 @!p0 $0x108  }
0x21: {  	s3 =	sadd.s32 s3, s9;
	s6 =	sadd.s32 @!p0 $0x88, s6;
	s7 =	simm.s32 @p2 $0x1082  }
0x22: {  	[simem:s7], [sflag:s8] =	dma.local @!p0 [hbm:s6], $0xF7A  }
0x23: {  	s9 =	sor.u32 $0xD0000000, s2;
	s6 =	simm.s32 $0x108;
	_ =	swait.ge @!p0 [sflag:s8], $0x0  }
0x24: {  	s3 =	sadd.s32 $0x88, s3;
	s6 =	simm.s32 @!p1 $0x1082;
	[sflag:s4] =	ssyncset.s32 $0xFFFFF086  }
0x25: {  	[simem:s6], [sflag:s4] =	dma.local [hbm:s3], $0xF7A  }
0x26: {  	[smem:$0x3F9F] =	sst s1;
	(tag) =	ssettag s2;
	_ =	strace s9  }
0x27: {  	s1 =	sld [smem:$0x3FAF]  }
0x28: {  	s2 =	sld [smem:$0x3FB0]  }
0x29: {  	s4 =	sld [smem:$0x3FB2]  }
0x2a: {  	p0 =	seq.s32 s5, $0x0;
	s5 =	sld [smem:$0x3FB3]  }
0x2b: {  	s6 =	sld [smem:$0x3FB4]  }
0x2c: {  	s7 =	sld [smem:$0x3FB5]  }
0x2d: {  	s3 =	simm.s32 $0x108;
	s8 =	sld [smem:$0x3FB6]  }
0x2e: {  	s3 =	simm.s32 @!p0 $0x1082;
	s9 =	sld [smem:$0x3FB7]  }
0x2f: {  	lr =	sadd.s32 s0, s3;
	s0 =	sld [smem:$0x3FAE]  }
0x30: {  	s3 =	sld [smem:$0x3FB1]  }
0x31: {  	[smem:$0x3FBA] =	sst s10  }
0x32: {  	s10 =	sld [smem:$0x3FB8];
	_ =	sdelay $0x3  }
0x33: {  	p0 =	seq.s32 s10, $0x1;
	s10 =	sld [smem:$0x3FBA];
	_ =	sdelay $0x3  }
0x34: {  	[smem:$0x3FBA] =	sst s10  }
0x35: {  	s10 =	sld [smem:$0x3FB9];
	_ =	sdelay $0x3  }
0x36: {  	p1 =	seq.s32 s10, $0x1;
	s10 =	sld [smem:$0x3FBA];
	_ =	sdelay $0x3  }
0x37: {  	[smem:$0x3FBA] =	sst s10  }
0x38: {  	s10 =	sld [smem:$0x3FBB]  }
0x39: {  	_ = 	snop;
	(pc) =	sbr.ind lr, $3  }
0x3a: {  	_ = 	snop  }
0x3b: {  	_ = 	snop  }
0x3c: {  	p2 =	seq.s32 s10, $0x1;
	s10 =	sld [smem:$0x3FBA]  }
0x3d: {  	_ =	shalt  }
0x3e: {  	_ =	shalt  }
0x3f: {  	_ =	shalt  }
0x40: {  	_ =	shalt  }
0x41: {  	_ =	shalt  }
0x42: {  	_ =	shalt  }
0x43: {  	_ =	shalt  }
0x44: {  	_ =	shalt  }
0x45: {  	_ =	shalt  }
0x46: {  	_ =	shalt  }
0x47: {  	_ =	shalt  }
0x48: {  	_ =	shalt  }
0x49: {  	_ =	shalt  }
0x4a: {  	_ =	shalt  }
0x4b: {  	_ =	shalt  }
0x4c: {  	_ =	shalt  }
0x4d: {  	_ =	shalt  }
0x4e: {  	_ =	shalt  }
0x4f: {  	_ =	shalt  }
0x50: {  	_ =	shalt  }
0x51: {  	_ =	shalt  }
0x52: {  	_ =	shalt  }
0x53: {  	_ =	shalt  }
0x54: {  	_ =	shalt  }
0x55: {  	_ =	shalt  }
0x56: {  	_ =	shalt  }
0x57: {  	_ =	shalt  }
0x58: {  	_ =	shalt  }
0x59: {  	_ =	shalt  }
0x5a: {  	_ =	shalt  }
0x5b: {  	_ =	shalt  }
0x5c: {  	_ =	shalt  }
0x5d: {  	_ =	shalt  }
0x5e: {  	_ =	shalt  }
0x5f: {  	_ =	shalt  }
0x60: {  	_ =	shalt  }
0x61: {  	_ =	shalt  }
0x62: {  	_ =	shalt  }
0x63: {  	_ =	shalt  }
0x64: {  	_ =	shalt  }
0x65: {  	_ =	shalt  }
0x66: {  	_ =	shalt  }
0x67: {  	_ =	shalt  }
0x68: {  	_ =	shalt  }
0x69: {  	_ =	shalt  }
0x6a: {  	_ =	shalt  }
0x6b: {  	_ =	shalt  }
0x6c: {  	_ =	shalt  }
0x6d: {  	_ =	shalt  }
0x6e: {  	_ =	shalt  }
0x6f: {  	_ =	shalt  }
0x70: {  	_ =	shalt  }
0x71: {  	_ =	shalt  }
0x72: {  	_ =	shalt  }
0x73: {  	_ =	shalt  }
0x74: {  	_ =	shalt  }
0x75: {  	_ =	shalt  }
0x76: {  	_ =	shalt  }
0x77: {  	_ =	shalt  }
0x78: {  	_ =	shalt  }
0x79: {  	_ =	shalt  }
0x7a: {  	_ =	shalt  }
0x7b: {  	_ =	shalt  }
0x7c: {  	_ =	shalt  }
0x7d: {  	_ =	shalt  }
0x7e: {  	_ =	shalt  }
0x7f: {  	_ =	shalt  }
0x80: {  	_ =	shalt  }
0x81: {  	_ =	shalt  }
0x82: {  	_ =	shalt  }
0x83: {  	_ =	shalt  }
0x84: {  	_ =	shalt  }
0x85: {  	_ =	shalt  }
0x86: {  	_ =	shalt  }
0x87: {  	_ =	shalt  }
.Lfunc_end0:
.L_simem_size_0:
called_computation_lowered:
.L_overlay_start_0:
0x88: {  	s0 =	sld [smem:$0x3FD9]  }
0x89: {  	s1 =	sld [smem:$0x3FFE];
	_ =	sdelay $0x3  }
0x8a: {  	s0 =	sadd.s32 s1, s0  }
0x8b: {  	[smem:$0x3FC6] =	sst s0  }
0x8c: {  	_ = 	snop  }
0x8d: {  	(tm) =	ssettm $0x1  }
0x8e: {  	s15 =	sld [smem:$0x3FFB];
	_ =	sdelay $0x3  }
0x8f: {  	_ =	strace s15  }
0x90: {  	s0 =	sld [smem:$0x3FFC];
	_ =	sdelay $0x3  }
0x91: {  	_ =	strace s0  }
0x92: {  	s0 =	sld [smem:$0x3FFD];
	_ =	sdelay $0x3  }
0x93: {  	_ =	strace s0  }
0x94: {  	_ =	strace $0x8FFFFFFF  }
0x95: {  	s16 =	sld [smem:$0x3FDB];
	_ =	sdelay $0x1  }
0x96: {  	s17 =	simm.s32 $_scs_section_size  }
0x97: {  	s2 =	simm.s32 $_size__tile_overlayer_lowered;
	s3 =	simm.s32 $_tile_overlayer_lowered  }
0x98: {  	s20 =	simm.s32 $0x1BFF;
	s19 =	sshll.u32 s3, $0x1;
	s0 =	sadd.s32 s17, s16  }
0x99: {  	s4 =	simm.s32 $0x0;
	s18 =	sshll.u32 s2, $0x1;
	s2 =	sadd.s32 s19, s0  }
0x9a: {  	[timem:s4], [sflag:s20] =	dma.local [hbm:s2], s18  }
0x9b: {  	_ =	swait.ge [sflag:s20], s18  }
0x9c: {  	s1 =	ssub.s32 $0x0, s18;
	[sflag:s20] =	ssyncset.done $0x0  }
0x9d: {  	[sflag:s20] =	ssyncadd.s32 s1;
	_ =	sdelay $0x1  }
0x9e: {  	s21 =	simm.s32 $0x1B8B  }
0x9f: {  	_ =	swait.ge [sflag:s21], $0x1  }
0xa0: {  	[sflag:s21] =	ssyncset.done $0x0  }
0xa1: {  	s23 =	simm.s32 $0x1B8E;
	s22 =	sld [smem:$0x3FFE];
	[sflag:s21] =	ssyncadd.s32 $0xFFFFFFFF  }
0xa2: {  	s24 =	simm.s32 $execute0_lowered;
	[smem:$0x3FD2] =	sst s23  }
0xa3: {  	s2 =	sshll.u32 s24, $0x1;
	_ =	strace $0x80000046;
	[dreg:$0x1] =	wrdreg $0xFFFFFFFF  }
0xa4: {  	s25 =	simm.s32 $_size_execute0_lowered;
	s0 =	sadd.s32 s0, s2;
	[dreg:$0x0] =	wrdreg $0x0  }
0xa5: {  	s2 =	sshll.u32 s25, $0x1;
	[dreg:$0x2] =	wrdreg s0  }
0xa6: {  	[dreg:$0x3] =	wrdreg s2  }
0xa7: {  	[dreg:$0x4] =	wrdreg $0xC0  }
0xa8: {  	_ =	task [dreg:s4], $0x5FFFF  }
0xa9: {  	[dreg:$0x1] =	wrdreg $0xFFFFFFFF  }
0xaa: {  	[dreg:$0x0] =	wrdreg $0x60  }
0xab: {  	[dreg:$0x2] =	wrdreg s22  }
0xac: {  	[dreg:$0x3] =	wrdreg $0x9  }
0xad: {  	_ =	task.clear_ibuf [dreg:s4], $0x4FFFF;
	_ =	strace $0x90000046  }
0xae: {  	s26 =	simm.s32 $0x9;
	_ =	strace $0x80000048  }
0xaf: {  	_ =	swait.ge [sflag:s26], $0x1  }
0xb0: {  	[sflag:s26] =	ssyncadd.s32 $0xFFFFFFFF  }
0xb1: {  	_ =	strace $0x90000048  }
0xb2: {  	_ =	sfence  }
0xb3: {  	s28 =	sld [smem:$0x0];
	_ =	sdelay $0x1  }
0xb4: {  	s29 =	srdreg.scid  }
0xb5: {  	s30 =	sshll.u32 s29, $0xD;
	s31 =	sshrl.u32 s29, $0x2  }
0xb6: {  	s1 =	sand.u32 $0x1, s29;
	s2 =	sand.u32 $0x4000, s30;
	s0 =	sadd.s32 s31, s28  }
0xb7: {  	s1 =	sor.u32 s2, s1;
	s0 =	sshll.u32 s0, $0x11  }
0xb8: {  	s0 =	sor.u32 s0, s1  }
0xb9: {  	s0 =	sadd.s32 $0x8F2B, s0  }
0xba: {  	[sflag:s0] =	ssyncadd.remote.s32 $0x1  }
0xbb: {  	_ =	sfence.sel $0xFFFF  }
0xbc: {  	[dreg:$0x0] =	wrdreg $0xFFFFFFFF;
	(pc) =	sbr.abs _section_cstart, $3  }
0xbd: {  	[dreg:$0x1] =	wrdreg $0xFFFFFFFF  }
0xbe: {  	_ =	task.clear_ibuf [dreg:s4], $0x2FFFF;
	_ =	strace $0x9FFFFFFF  }
0xbf: {  	(tm) =	ssettm $0x7FFFFFFF  }
tec
execute0_lowered:
.L_overlay_start_1:
0x0: {  	(tag) =	ssettag $0x1  }
0x1: {  	s2 =	rddreg [dreg:$0x0]  }
0x2: {  	s0 =	rddreg [dreg:$0x1];
	s1 =	stileid.u32;
	_ =	strace $0x80000047  }
0x3: {  	s6 =	simm.s32 $0x1;
	s8 =	simm.s32 $0x2;
	s30 =	simm.s32 $0x3  }
0x4: {  	s12 =	simm.s32 $0x0;
	s9 =	simm.s32 $0x0;
	s4 =	sshll.u32 s1, $0x4  }
0x5: {  	s10 =	simm.s32 $0x0;
	s3 =	sadd.s32 $0x1000, s2;
	s7 =	ssub.s32 $0x1380, s4  }
0x6: {  	s5 =	sadd.s32 $0x1400, s2;
	[sflag:s6] =	ssyncpa.u1 $0x0;
	s6 =	sshrl.u32 s7, $0x8  }
0x7: {  	[sflag:s8] =	ssyncpa.u1 $0x0;
	s11 =	smov.u32 s4;
	s31 =	sshll.u32 s6, $0x4  }
0x8: {  	[sflag:s30] =	ssyncpa.u1 $0x0;
	s7 =	sadd.s32 $0x2, s6;
	s8 =	sadd.s32 $0x30, s31  }
.LBB2_1:
0x9: {  	p0 =	sgt.u32 s10, s6  }
0xa: {  	s13 =	sxor.u32 @!p0 $0xFFFFFFFF, s9;
	s14 =	sshrl.u32 @!p0 s11, $0x3  }
0xb: {  	s15 =	sand.u32 @!p0 $0x7, s11;
	s13 =	sand.u32 @!p0 $0x10, s13;
	s14 =	sadd.s32 @!p0 s3, s14  }
0xc: {  	[tilespmem:s13], [sflag:$0x2] =	stream.linear.gather @!p0 [hbm4b:s14+s15], $0x10, $0x38;
	[tilespmem:$0x40] =	vst v63  }
0xd: {  	p0 =	seq.s32 s9, $0x0  }
0xe: {  	p1 =	sge.u32 @!p0 s10, s7  }
0xf: {  	p0 =	por p1, p0  }
0x10: {  	s13 =	simm.s32 @!p0 $0x2  }
0x11: {  	_ =	swait.ge @!p0 [sflag:s13], $0x10  }
0x12: {  	[sflag:s13] =	ssyncset.done @!p0 $0x0  }
0x13: {  	[sflag:s13] =	ssyncadd.s32 @!p0 $0xFFFFFFF0;
	s13 =	sand.u32 @!p0 $0x10, s9  }
0x14: {  	(ifvalue) =	ssetifvalue @!p0 $0x7FFFFFFF;
	v0 =	vld.msk @!p0 [tilespmem:s13+$0x0 ss:$0x1], $0xffff;
	_ =	sdelay $0x4  }
0x15: {  	vm0 =	vgt.s32 @!p0 v0, $0x0  }
0x16: {  	v0 =	vnsel @!p0 vm0, $0x0, v0  }
0x17: {  	v0 =	vmin.u32 @!p0 v0, $0x1387;
	_ =	sdelay $0x3  }
0x18: {  	s14 =	simm.s32 @!p0 $0x0;
	s13 =	sor.u32 @!p0 $0x20, s13;
	(ifvalue) =	ssetifvalue @!p0 $0x7FFFFFFF;
	vm0 =	vmmov @!p0 $0xffff  }
0x19: {  	[tilespmem:s13], [sflag:$0x1] =	stream.indirect_vreg.gather @!p0 [hbm4b:s2+s14], $0x1, v0, vm0, $0x4038;
	[tilespmem:$0x40] =	vst v63  }
0x1a: {  	s14 =	simm.s32 @!p0 $0x1  }
0x1b: {  	_ =	swait.ge @!p0 [sflag:s14], $0x10  }
0x1c: {  	s15 =	sshrl.u32 @!p0 s12, $0x3;
	[sflag:s14] =	ssyncset.done @!p0 $0x0  }
0x1d: {  	s12 =	sand.u32 @!p0 $0x7, s12;
	[sflag:s14] =	ssyncadd.s32 @!p0 $0xFFFFFFF0;
	s14 =	sadd.s32 @!p0 s5, s15  }
0x1e: {  	[hbm4b:s14+s12] =	stream.linear.scatter @!p0 [tilespmem:s13], [sflag:$0x3], $0x10, $0x38;
	[tilespmem:$0x40] =	vst v63  }
0x1f: {  	s14 =	sadd.s32 $0x100, s11  }
0x20: {  	s9 =	sadd.s32 $0x10, s9;
	p1 =	sgt.s32 s14, $0x1387  }
0x21: {  	s14 =	smov.u32 @p1 s4;
	p1 =	sne.s32 s8, s9  }
.Ltmp0:
0x22: {  	p0 =	slt.u32 s10, $0x2;
	(pc) =	sbr.rel @p1 .LBB2_1-.Ltmp0, $4  }
0x23: {  	s13 =	simm.s32 @!p0 $0x3  }
0x24: {  	_ =	swait.ge @!p0 [sflag:s13], $0x10  }
0x25: {  	s12 =	smov.u32 s11;
	[sflag:s13] =	ssyncset.done @!p0 $0x0  }
0x26: {  	s10 =	sadd.s32 $0x1, s10;
	s11 =	smov.u32 s14;
	[sflag:s13] =	ssyncadd.s32 @!p0 $0xFFFFFFF0  }
0x27: {  	_ =	sfence.sel $0x180000  }
0x28: {  	s2 =	simm.s32 $0x2;
	[bflag:$0x0] =	sbarrier.arrive $0xFFFF  }
0x29: {  	s30 =	simm.s32 $0x3;
	[sflag:s2] =	ssyncpa.u1 $0x1  }
0x2a: {  	s31 =	simm.s32 $0x1;
	[sflag:s30] =	ssyncpa.u1 $0x1  }
0x2b: {  	[sflag:s31] =	ssyncpa.u1 $0x1  }
0x2c: {  	p0 =	sne.s32 s1, $0x0;
	_ =	strace $0x90000047  }
0x2d: {  	s0 =	sadd.s32 @!p0 $0x100000, s0;
	[bflag:$0x2] =	sbarrier.arrive $0xFFFF  }
0x2e: {  	[sflag:s0] =	ssyncadd.tile.s32 @!p0 $0x1;
	_ =	shalt  }
.Lfunc_end2:
_tile_overlayer_lowered:
.L_overlay_start_2:
0x2f: {  	(tag) =	ssettag $0x2  }
0x30: {  	s0 =	rddreg [dreg:$0x0];
	s2 =	stileid.u32  }
0x31: {  	s1 =	rddreg [dreg:$0x1];
	p0 =	sne.s32 s2, $0x0  }
0x32: {  	s3 =	rddreg [dreg:$0x2];
	[bflag:$0x3] =	sbarrier.arrive $0xFFFF;
	s2 =	simm.s32 @!p0 $0x1C01  }
0x33: {  	[timem:s3], [sflag:s2] =	dma.local @!p0 [hbm:s0], s1  }
0x34: {  	s0 =	simm.s32 @!p0 $0x1  }
0x35: {  	_ =	swait.ge @!p0 [sflag:s0], s1  }
0x36: {  	s1 =	ssub.s32 @!p0 $0x0, s1;
	[sflag:s0] =	ssyncset.done @!p0 $0x0  }
0x37: {  	[sflag:s0] =	ssyncadd.s32 @!p0 s1  }
0x38: {  	[bflag:$0x3] =	sbarrier.arrive $0xFFFF  }
0x39: {  	_ =	shalt  }

</sc_bundles>
